<compile_context>
chip_gen: v7x
topology: tpu7x:2x2x1
jax: 0.10.2.dev20260603
libtpu: 0.0.44.dev20260713+nightly
codegen_flags: <defaults>
</compile_context>

<pallas_src>
import functools

import jax
import jax.numpy as jnp
from jax import lax
from jax.experimental import pallas as pl
from jax.experimental.pallas import tpu as pltpu
from jax.experimental.pallas import tpu_sc as plsc

V1, V2, V3 = 50, 40, 50
E1, E2, E3 = 4, 4, 4
R1, R2 = 16, 16
VOCAB = V1 * V2 * V3
EMB = E1 * E2 * E3
TROW = 2 * EMB
NV12 = V1 * V2
KDIM = E1 * E2 * R2
NCOLS = V3 * EMB
ROWBLK = 400
OROWS = ROWBLK * NCOLS // TROW

NC, NS = 2, 16
NW = NC * NS
NROW, NCOL = 4096, 26
B_TOTAL = NROW * NCOL
B_PER_W = B_TOTAL // NW
KCH = 128
NCH = B_PER_W // KCH
L = 16


def _w12_body(c0_ref, c1_ref, out_ref):
    m0 = c0_ref[...].reshape(V1 * E1, R1)
    c1 = c1_ref[...].reshape(R1, V2 * E2 * R2)
    p = jnp.dot(m0, c1, preferred_element_type=jnp.float32)
    w12 = p.reshape(V1, E1, V2, E2 * R2).transpose(0, 2, 1, 3)
    out_ref[...] = w12.reshape(NV12, KDIM)


def _table_body(w12_ref, c2f_ref, out_ref, bd_ref):
    @pl.when(pl.program_id(0) == 0)
    def _():
        c2f = c2f_ref[...]
        pr = lax.broadcasted_iota(jnp.int32, (KDIM, R2), 0)
        rc = lax.broadcasted_iota(jnp.int32, (KDIM, R2), 1)
        oh_r = jnp.where(rc == pr % R2, 1.0, 0.0).astype(jnp.float32)
        cc = lax.broadcasted_iota(jnp.int32, (V3 * E3, NCOLS), 0)
        qq = lax.broadcasted_iota(jnp.int32, (V3 * E3, NCOLS), 1)
        hit = cc == (qq // EMB) * E3 + qq % E3
        oh_c = jnp.where(hit, 1.0, 0.0).astype(jnp.float32)
        v = jnp.dot(jnp.dot(oh_r, c2f, preferred_element_type=jnp.float32),
                    oh_c, preferred_element_type=jnp.float32)
        p2 = lax.broadcasted_iota(jnp.int32, (KDIM, NCOLS), 0)
        q2 = lax.broadcasted_iota(jnp.int32, (KDIM, NCOLS), 1)
        bd_ref[...] = jnp.where((p2 // R2) == ((q2 % EMB) // E3), v, 0.0)

    res = jnp.dot(w12_ref[...], bd_ref[...], preferred_element_type=jnp.float32)
    out_ref[...] = res.reshape(OROWS, TROW)


def _build_table(core0, core1, core2):
    w12 = pl.pallas_call(
        _w12_body,
        out_shape=jax.ShapeDtypeStruct((NV12, KDIM), jnp.float32),
    )(core0, core1)
    c2f = core2.reshape(R2, V3 * E3)
    table = pl.pallas_call(
        _table_body,
        grid=(NV12 // ROWBLK,),
        in_specs=[
            pl.BlockSpec((ROWBLK, KDIM), lambda i: (i, 0)),
            pl.BlockSpec((R2, V3 * E3), lambda i: (0, 0)),
        ],
        out_specs=pl.BlockSpec((OROWS, TROW), lambda i: (i, 0)),
        out_shape=jax.ShapeDtypeStruct((VOCAB // 2, TROW), jnp.float32),
        scratch_shapes=[pltpu.VMEM((KDIM, NCOLS), jnp.float32)],
    )(w12, c2f)
    return table


def _gather_rows(table, idx3):
    mesh = plsc.VectorSubcoreMesh(core_axis_name="c", subcore_axis_name="s")

    @functools.partial(
        pl.kernel,
        mesh=mesh,
        out_type=jax.ShapeDtypeStruct((NCOL * NROW, TROW), jnp.float32),
        scratch_types=[
            pltpu.VMEM((NCH, KCH), jnp.int32),
            pltpu.VMEM((KCH, TROW), jnp.float32),
            pltpu.VMEM((KCH, TROW), jnp.float32),
            pltpu.SemaphoreType.DMA,
            pltpu.SemaphoreType.DMA,
        ],
    )
    def gather_k(table_hbm, idx_hbm, out_hbm, idx_v, rows_a, rows_b, sem_a, sem_b):
        wid = lax.axis_index("s") * NC + lax.axis_index("c")
        pltpu.sync_copy(idx_hbm.at[wid], idx_v)
        bufs = (rows_a, rows_b)
        sems = (sem_a, sem_b)

        pltpu.make_async_copy(table_hbm.at[idx_v.at[0]], rows_a, sem_a).start()

        def body(ch0, carry):
            for b in range(2):
                ch = ch0 + b

                @pl.when(ch + 1 < NCH)
                def _():
                    pltpu.make_async_copy(
                        table_hbm.at[idx_v.at[ch + 1]], bufs[1 - b], sems[1 - b]
                    ).start()

                pltpu.make_async_copy(
                    table_hbm.at[idx_v.at[ch]], bufs[b], sems[b]
                ).wait()
                pltpu.sync_copy(bufs[b],
                                out_hbm.at[pl.ds(ch * NROW + wid * KCH, KCH)])
            return carry

        lax.fori_loop(0, NCH // 2, lambda i, c: body(i * 2, c), 0, unroll=False)

    return gather_k(table, idx3)


def _format_body(in_ref, par_ref, out_ref):
    i = pl.program_id(0)
    x = in_ref[...]
    pr = par_ref[pl.ds(i, 1), :]
    ce = lax.broadcasted_iota(jnp.int32, (TROW, TROW), 0)
    cq = lax.broadcasted_iota(jnp.int32, (TROW, TROW), 1)
    eye = jnp.where(ce == cq, 1.0, 0.0).astype(jnp.float32)
    xt = lax.dot_general(eye, x, (((1,), (1,)), ((), ())),
                         preferred_element_type=jnp.float32)
    out_ref[...] = jnp.where(pr > 0.5, xt[EMB:, :], xt[:EMB, :])


def _format_rows(rows, par2):
    return pl.pallas_call(
        _format_body,
        grid=(NCOL,),
        in_specs=[
            pl.BlockSpec((NROW, TROW), lambda i: (i, 0)),
            pl.BlockSpec((NCOL, NROW), lambda i: (0, 0)),
        ],
        out_specs=pl.BlockSpec((EMB, NROW), lambda i: (i, 0)),
        out_shape=jax.ShapeDtypeStruct((NCOL * EMB, NROW), jnp.float32),
    )(rows, par2)


def kernel(core0, core1, core2, x):
    table = _build_table(core0, core1, core2)
    xi = x.astype(jnp.int32)
    idx3 = (xi >> 1).reshape(NW, KCH, NCOL).transpose(0, 2, 1)
    par = (xi & 1).T.astype(jnp.float32)
    rows = _gather_rows(table, idx3)
    outt = _format_rows(rows, par)
    return outt.reshape(NCOL, EMB, NROW).transpose(2, 0, 1)

# --- scband reference (transcript-rebuilt; emitter-appended) ---
"""Pipeline reference for scband-tensorized-embedding-78374563217858 (READ-ONLY COPY).

The authoritative reference and input builder live on the scoring server;
editing this copy changes nothing except your own understanding.
"""

import jax, jax.numpy as jnp
import numpy as np

VOC_SHAPE = [50, 40, 50]
EMB_SHAPE = [4, 4, 4]
RANKS = [1, 16, 16, 1]
VOC = int(np.prod(VOC_SHAPE))
EMB = int(np.prod(EMB_SHAPE))


def tt_full(cores):
    # TT-matrix reconstruction: full[(i1..id),(j1..jd)] = prod_k G_k[:, i_k, j_k, :]
    res = cores[0].reshape(VOC_SHAPE[0] * EMB_SHAPE[0], RANKS[1])
    for k in range(1, len(cores)):
        core_flat = cores[k].reshape(RANKS[k], VOC_SHAPE[k] * EMB_SHAPE[k] * RANKS[k + 1])
        res = res @ core_flat  # [(prod mn so far), m*n*r_next]
        res = res.reshape(-1, RANKS[k + 1])
    # res is now flattened over (m1, n1, m2, n2, m3, n3)
    res = res.reshape(VOC_SHAPE[0], EMB_SHAPE[0], VOC_SHAPE[1], EMB_SHAPE[1], VOC_SHAPE[2], EMB_SHAPE[2])
    res = jnp.transpose(res, (0, 2, 4, 1, 3, 5))
    return res.reshape(VOC, EMB)


def setup_inputs(seed: int = 0) -> dict:
    key = jax.random.key(seed)
    ks = jax.random.split(key, 4)
    target_stddev = np.sqrt(2.0 / VOC)
    d = len(VOC_SHAPE)
    core_std = target_stddev ** (1.0 / d)
    inp = {}
    for i in range(d):
        shape = (RANKS[i], VOC_SHAPE[i], EMB_SHAPE[i], RANKS[i + 1])
        scale = core_std / np.sqrt(max(RANKS[i], 1))
        inp["core%d" % i] = jax.random.normal(ks[i], shape, dtype=jnp.float32) * scale
    inp["x"] = jax.random.randint(ks[3], (4096, 26), 0, 100000).astype(jnp.int64)
    return inp


def reference(core0, core1, core2, x):
    xshape = x.shape
    xf = x.reshape(-1)
    full = tt_full([core0, core1, core2])  # [VOC, EMB]
    rows = full[xf]  # gather
    rows = rows.reshape(xf.shape[0], -1)
    rows = rows.reshape(xshape + (EMB,))
    return rows

if __name__ == "__main__":
    import jax
    _d = setup_inputs()
    print(jax.jit(kernel)(*tuple(_d.values())))

</pallas_src>

<mosaic_0001>
#map = affine_map<(d0, d1) -> (0, 0)>
#map1 = affine_map<(d0, d1) -> (0, 0, 0)>
module attributes {stable_mosaic.version = 14 : i64} {
  func.func @gather_k(%arg0: i32, %arg1: i32, %arg2: memref<50000x128xf32, #tpu.memory_space<hbm>>, %arg3: memref<32x26x128xi32, #tpu.memory_space<hbm>>, %arg4: memref<106496x128xf32, #tpu.memory_space<hbm>>, %arg5: memref<26x128xi32, #tpu.memory_space<vmem>>, %arg6: memref<128x128xf32, #tpu.memory_space<vmem>>, %arg7: memref<128x128xf32, #tpu.memory_space<vmem>>, %arg8: memref<!tpu.dma_semaphore, #tpu.memory_space<semaphore_mem>>, %arg9: memref<!tpu.dma_semaphore, #tpu.memory_space<semaphore_mem>>) attributes {dimension_semantics = [#tpu.dimension_semantics<core_parallel>, #tpu.dimension_semantics<subcore_parallel>], iteration_bounds = array<i64: 2, 16>, scalar_prefetch = 0 : i64, scratch_operands = 5 : i64, tpu.core_type = #tpu.core_type<sc_vector_subcore>, window_params = [{transform_indices = #map}, {transform_indices = #map1}, {transform_indices = #map}]} {
    %mul3A = arith.constant 2 : i32
    %mul3A_0 = arith.muli %arg1, %mul3A : i32
    %add3A = arith.addi %mul3A_0, %arg0 : i32
    "tpu.region"() ({
      %run_scoped3A = tpu.sem_alloc : memref<!tpu.dma_semaphore, #tpu.memory_space<semaphore_mem>>
      %dma_start3A_12 = arith.constant 0 : i32
      %dma_start3A_13 = arith.constant 0 : i32
      %dma_start3A_14 = tpu.memref_slice %arg3[%add3A, %dma_start3A_12, %dma_start3A_13] : memref<32x26x128xi32, #tpu.memory_space<hbm>> -> memref<1x26x128xi32, #tpu.memory_space<hbm>>
      %dma_start3A_15 = tpu.memref_squeeze %dma_start3A_14 : memref<1x26x128xi32, #tpu.memory_space<hbm>> -> memref<26x128xi32, #tpu.memory_space<hbm>>
      %dma_start3A_16 = arith.constant 0 : i32
      %dma_start3A_17 = arith.constant 0 : i32
      %dma_start3A_18 = tpu.memref_slice %arg3[%add3A, %dma_start3A_16, %dma_start3A_17] : memref<32x26x128xi32, #tpu.memory_space<hbm>> -> memref<1x26x128xi32, #tpu.memory_space<hbm>>
      %dma_start3A_19 = tpu.memref_squeeze %dma_start3A_18 : memref<1x26x128xi32, #tpu.memory_space<hbm>> -> memref<26x128xi32, #tpu.memory_space<hbm>>
      tpu.enqueue_dma source(%dma_start3A_19 : memref<26x128xi32, #tpu.memory_space<hbm>>) target(%arg5 : memref<26x128xi32, #tpu.memory_space<vmem>>) target_semaphore(%run_scoped3A : memref<!tpu.dma_semaphore, #tpu.memory_space<semaphore_mem>>)
      %dma_wait3A = arith.constant 0 : i32
      %dma_wait3A_20 = arith.constant 0 : i32
      %dma_wait3A_21 = tpu.memref_slice %arg3[%add3A, %dma_wait3A, %dma_wait3A_20] : memref<32x26x128xi32, #tpu.memory_space<hbm>> -> memref<1x26x128xi32, #tpu.memory_space<hbm>>
      %dma_wait3A_22 = tpu.memref_squeeze %dma_wait3A_21 : memref<1x26x128xi32, #tpu.memory_space<hbm>> -> memref<26x128xi32, #tpu.memory_space<hbm>>
      %dma_wait3A_23 = arith.constant 0 : i32
      %dma_wait3A_24 = arith.constant 0 : i32
      %dma_wait3A_25 = tpu.memref_slice %arg3[%add3A, %dma_wait3A_23, %dma_wait3A_24] : memref<32x26x128xi32, #tpu.memory_space<hbm>> -> memref<1x26x128xi32, #tpu.memory_space<hbm>>
      %dma_wait3A_26 = tpu.memref_squeeze %dma_wait3A_25 : memref<1x26x128xi32, #tpu.memory_space<hbm>> -> memref<26x128xi32, #tpu.memory_space<hbm>>
      tpu.wait_dma2 semaphore(%run_scoped3A : memref<!tpu.dma_semaphore, #tpu.memory_space<semaphore_mem>>) src(%dma_wait3A_26 : memref<26x128xi32, #tpu.memory_space<hbm>>) dst(%arg5 : memref<26x128xi32, #tpu.memory_space<vmem>>)
      tpu.yield
    }) : () -> ()
    %dma_start3A = arith.constant 0 : i32
    %dma_start3A_1 = arith.constant 0 : i32
    %dma_start3A_2 = tpu.memref_slice %arg5[%dma_start3A, %dma_start3A_1] : memref<26x128xi32, #tpu.memory_space<vmem>> -> memref<1x128xi32, #tpu.memory_space<vmem>>
    %dma_start3A_3 = tpu.memref_squeeze %dma_start3A_2 : memref<1x128xi32, #tpu.memory_space<vmem>> -> memref<128xi32, #tpu.memory_space<vmem>>
    %dma_start3A_4 = arith.constant 0 : i32
    %dma_start3A_5 = arith.constant 0 : i32
    %dma_start3A_6 = tpu.memref_slice %arg2[%dma_start3A_4, %dma_start3A_5] : memref<50000x128xf32, #tpu.memory_space<hbm>> -> memref<50000x128xf32, #tpu.memory_space<hbm>>
    tpu.enqueue_indirect_dma source(%dma_start3A_6 : memref<50000x128xf32, #tpu.memory_space<hbm>>) target(%arg6 : memref<128x128xf32, #tpu.memory_space<vmem>>) offsets(%dma_start3A_3 : memref<128xi32, #tpu.memory_space<vmem>>) semaphore(%arg8 : memref<!tpu.dma_semaphore, #tpu.memory_space<semaphore_mem>>)
    %scan3A = arith.constant 0 : i32
    %scan3A_7 = arith.constant 0 : i32
    %scan3A_8 = arith.constant 13 : i32
    %scan3A_9 = arith.addi %scan3A_7, %scan3A_8 : i32
    %scan3A_10 = arith.constant 1 : i32
    scf.for %scan3A_12 = %scan3A_7 to %scan3A_9 step %scan3A_10  : i32 {
      %mul3A_13 = arith.constant 2 : i32
      %mul3A_14 = arith.muli %scan3A_12, %mul3A_13 : i32
      %add3A_15 = arith.constant 0 : i32
      %add3A_16 = arith.addi %mul3A_14, %add3A_15 : i32
      %add3A_17 = arith.constant 1 : i32
      %add3A_18 = arith.addi %add3A_16, %add3A_17 : i32
      %lt3A = arith.constant 26 : i32
      %lt3A_19 = arith.cmpi slt, %add3A_18, %lt3A : i32
      %convert_element_type3A = arith.extui %lt3A_19 : i1 to i32
      %cond3A = arith.constant 0 : i32
      %cond3A_20 = arith.cmpi ne, %convert_element_type3A, %cond3A : i32
      scf.if %cond3A_20 {
        %add3A_51 = arith.constant 1 : i32
        %add3A_52 = arith.addi %add3A_16, %add3A_51 : i32
        %dma_start3A_53 = arith.constant 0 : i32
        %dma_start3A_54 = tpu.memref_slice %arg5[%add3A_52, %dma_start3A_53] : memref<26x128xi32, #tpu.memory_space<vmem>> -> memref<1x128xi32, #tpu.memory_space<vmem>>
        %dma_start3A_55 = tpu.memref_squeeze %dma_start3A_54 : memref<1x128xi32, #tpu.memory_space<vmem>> -> memref<128xi32, #tpu.memory_space<vmem>>
        %dma_start3A_56 = arith.constant 0 : i32
        %dma_start3A_57 = arith.constant 0 : i32
        %dma_start3A_58 = tpu.memref_slice %arg2[%dma_start3A_56, %dma_start3A_57] : memref<50000x128xf32, #tpu.memory_space<hbm>> -> memref<50000x128xf32, #tpu.memory_space<hbm>>
        tpu.enqueue_indirect_dma source(%dma_start3A_58 : memref<50000x128xf32, #tpu.memory_space<hbm>>) target(%arg7 : memref<128x128xf32, #tpu.memory_space<vmem>>) offsets(%dma_start3A_55 : memref<128xi32, #tpu.memory_space<vmem>>) semaphore(%arg9 : memref<!tpu.dma_semaphore, #tpu.memory_space<semaphore_mem>>)
      } else {
      }
      %dma_wait3A = arith.constant 0 : i32
      %dma_wait3A_21 = tpu.memref_slice %arg5[%add3A_16, %dma_wait3A] : memref<26x128xi32, #tpu.memory_space<vmem>> -> memref<1x128xi32, #tpu.memory_space<vmem>>
      %dma_wait3A_22 = tpu.memref_squeeze %dma_wait3A_21 : memref<1x128xi32, #tpu.memory_space<vmem>> -> memref<128xi32, #tpu.memory_space<vmem>>
      %dma_wait3A_23 = arith.constant 0 : i32
      %dma_wait3A_24 = arith.constant 0 : i32
      %dma_wait3A_25 = tpu.memref_slice %arg2[%dma_wait3A_23, %dma_wait3A_24] : memref<50000x128xf32, #tpu.memory_space<hbm>> -> memref<50000x128xf32, #tpu.memory_space<hbm>>
      tpu.wait_indirect_dma semaphore(%arg8 : memref<!tpu.dma_semaphore, #tpu.memory_space<semaphore_mem>>) src(%dma_wait3A_25 : memref<50000x128xf32, #tpu.memory_space<hbm>>) dst(%arg6 : memref<128x128xf32, #tpu.memory_space<vmem>>)
      %mul3A_26 = arith.constant 4096 : i32
      %mul3A_27 = arith.muli %add3A_16, %mul3A_26 : i32
      %mul3A_28 = arith.constant 128 : i32
      %mul3A_29 = arith.muli %add3A, %mul3A_28 : i32
      %add3A_30 = arith.addi %mul3A_27, %mul3A_29 : i32
      "tpu.region"() ({
        %run_scoped3A = tpu.sem_alloc : memref<!tpu.dma_semaphore, #tpu.memory_space<semaphore_mem>>
        %dma_start3A_51 = arith.constant 0 : i32
        %dma_start3A_52 = tpu.memref_slice %arg4[%add3A_30, %dma_start3A_51] : memref<106496x128xf32, #tpu.memory_space<hbm>> -> memref<128x128xf32, #tpu.memory_space<hbm>>
        %dma_start3A_53 = arith.constant 0 : i32
        %dma_start3A_54 = tpu.memref_slice %arg4[%add3A_30, %dma_start3A_53] : memref<106496x128xf32, #tpu.memory_space<hbm>> -> memref<128x128xf32, #tpu.memory_space<hbm>>
        tpu.enqueue_dma source(%arg6 : memref<128x128xf32, #tpu.memory_space<vmem>>) target(%dma_start3A_54 : memref<128x128xf32, #tpu.memory_space<hbm>>) target_semaphore(%run_scoped3A : memref<!tpu.dma_semaphore, #tpu.memory_space<semaphore_mem>>)
        %dma_wait3A_55 = arith.constant 0 : i32
        %dma_wait3A_56 = tpu.memref_slice %arg4[%add3A_30, %dma_wait3A_55] : memref<106496x128xf32, #tpu.memory_space<hbm>> -> memref<128x128xf32, #tpu.memory_space<hbm>>
        %dma_wait3A_57 = arith.constant 0 : i32
        %dma_wait3A_58 = tpu.memref_slice %arg4[%add3A_30, %dma_wait3A_57] : memref<106496x128xf32, #tpu.memory_space<hbm>> -> memref<128x128xf32, #tpu.memory_space<hbm>>
        tpu.wait_dma2 semaphore(%run_scoped3A : memref<!tpu.dma_semaphore, #tpu.memory_space<semaphore_mem>>) src(%arg6 : memref<128x128xf32, #tpu.memory_space<vmem>>) dst(%dma_wait3A_58 : memref<128x128xf32, #tpu.memory_space<hbm>>)
        tpu.yield
      }) : () -> ()
      %add3A_31 = arith.constant 1 : i32
      %add3A_32 = arith.addi %mul3A_14, %add3A_31 : i32
      %add3A_33 = arith.constant 1 : i32
      %add3A_34 = arith.addi %add3A_32, %add3A_33 : i32
      %lt3A_35 = arith.constant 26 : i32
      %lt3A_36 = arith.cmpi slt, %add3A_34, %lt3A_35 : i32
      %convert_element_type3A_37 = arith.extui %lt3A_36 : i1 to i32
      %cond3A_38 = arith.constant 0 : i32
      %cond3A_39 = arith.cmpi ne, %convert_element_type3A_37, %cond3A_38 : i32
      scf.if %cond3A_39 {
        %add3A_51 = arith.constant 1 : i32
        %add3A_52 = arith.addi %add3A_32, %add3A_51 : i32
        %dma_start3A_53 = arith.constant 0 : i32
        %dma_start3A_54 = tpu.memref_slice %arg5[%add3A_52, %dma_start3A_53] : memref<26x128xi32, #tpu.memory_space<vmem>> -> memref<1x128xi32, #tpu.memory_space<vmem>>
        %dma_start3A_55 = tpu.memref_squeeze %dma_start3A_54 : memref<1x128xi32, #tpu.memory_space<vmem>> -> memref<128xi32, #tpu.memory_space<vmem>>
        %dma_start3A_56 = arith.constant 0 : i32
        %dma_start3A_57 = arith.constant 0 : i32
        %dma_start3A_58 = tpu.memref_slice %arg2[%dma_start3A_56, %dma_start3A_57] : memref<50000x128xf32, #tpu.memory_space<hbm>> -> memref<50000x128xf32, #tpu.memory_space<hbm>>
        tpu.enqueue_indirect_dma source(%dma_start3A_58 : memref<50000x128xf32, #tpu.memory_space<hbm>>) target(%arg6 : memref<128x128xf32, #tpu.memory_space<vmem>>) offsets(%dma_start3A_55 : memref<128xi32, #tpu.memory_space<vmem>>) semaphore(%arg8 : memref<!tpu.dma_semaphore, #tpu.memory_space<semaphore_mem>>)
      } else {
      }
      %dma_wait3A_40 = arith.constant 0 : i32
      %dma_wait3A_41 = tpu.memref_slice %arg5[%add3A_32, %dma_wait3A_40] : memref<26x128xi32, #tpu.memory_space<vmem>> -> memref<1x128xi32, #tpu.memory_space<vmem>>
      %dma_wait3A_42 = tpu.memref_squeeze %dma_wait3A_41 : memref<1x128xi32, #tpu.memory_space<vmem>> -> memref<128xi32, #tpu.memory_space<vmem>>
      %dma_wait3A_43 = arith.constant 0 : i32
      %dma_wait3A_44 = arith.constant 0 : i32
      %dma_wait3A_45 = tpu.memref_slice %arg2[%dma_wait3A_43, %dma_wait3A_44] : memref<50000x128xf32, #tpu.memory_space<hbm>> -> memref<50000x128xf32, #tpu.memory_space<hbm>>
      tpu.wait_indirect_dma semaphore(%arg9 : memref<!tpu.dma_semaphore, #tpu.memory_space<semaphore_mem>>) src(%dma_wait3A_45 : memref<50000x128xf32, #tpu.memory_space<hbm>>) dst(%arg7 : memref<128x128xf32, #tpu.memory_space<vmem>>)
      %mul3A_46 = arith.constant 4096 : i32
      %mul3A_47 = arith.muli %add3A_32, %mul3A_46 : i32
      %mul3A_48 = arith.constant 128 : i32
      %mul3A_49 = arith.muli %add3A, %mul3A_48 : i32
      %add3A_50 = arith.addi %mul3A_47, %mul3A_49 : i32
      "tpu.region"() ({
        %run_scoped3A = tpu.sem_alloc : memref<!tpu.dma_semaphore, #tpu.memory_space<semaphore_mem>>
        %dma_start3A_51 = arith.constant 0 : i32
        %dma_start3A_52 = tpu.memref_slice %arg4[%add3A_50, %dma_start3A_51] : memref<106496x128xf32, #tpu.memory_space<hbm>> -> memref<128x128xf32, #tpu.memory_space<hbm>>
        %dma_start3A_53 = arith.constant 0 : i32
        %dma_start3A_54 = tpu.memref_slice %arg4[%add3A_50, %dma_start3A_53] : memref<106496x128xf32, #tpu.memory_space<hbm>> -> memref<128x128xf32, #tpu.memory_space<hbm>>
        tpu.enqueue_dma source(%arg7 : memref<128x128xf32, #tpu.memory_space<vmem>>) target(%dma_start3A_54 : memref<128x128xf32, #tpu.memory_space<hbm>>) target_semaphore(%run_scoped3A : memref<!tpu.dma_semaphore, #tpu.memory_space<semaphore_mem>>)
        %dma_wait3A_55 = arith.constant 0 : i32
        %dma_wait3A_56 = tpu.memref_slice %arg4[%add3A_50, %dma_wait3A_55] : memref<106496x128xf32, #tpu.memory_space<hbm>> -> memref<128x128xf32, #tpu.memory_space<hbm>>
        %dma_wait3A_57 = arith.constant 0 : i32
        %dma_wait3A_58 = tpu.memref_slice %arg4[%add3A_50, %dma_wait3A_57] : memref<106496x128xf32, #tpu.memory_space<hbm>> -> memref<128x128xf32, #tpu.memory_space<hbm>>
        tpu.wait_dma2 semaphore(%run_scoped3A : memref<!tpu.dma_semaphore, #tpu.memory_space<semaphore_mem>>) src(%arg7 : memref<128x128xf32, #tpu.memory_space<vmem>>) dst(%dma_wait3A_58 : memref<128x128xf32, #tpu.memory_space<hbm>>)
        tpu.yield
      }) : () -> ()
    }
    %scan3A_11 = arith.constant 13 : i32
    return
  }
}

module attributes {stable_mosaic.version = 14 : i64} {
  func.func @_table_body(%arg0: i32, %arg1: memref<400x256xf32, #tpu.memory_space<vmem>>, %arg2: memref<16x200xf32, #tpu.memory_space<vmem>>, %arg3: memref<10000x128xf32, #tpu.memory_space<vmem>>, %arg4: memref<256x3200xf32, #tpu.memory_space<vmem>>) attributes {dimension_semantics = [#tpu.dimension_semantics<arbitrary>], iteration_bounds = array<i64: 5>, scalar_prefetch = 0 : i64, scratch_operands = 1 : i64, tpu.core_type = #tpu.core_type<tc>, window_params = [{transform_indices = @transform_0, window_bounds = array<i64: 400, 256>}, {pipeline_mode = #tpu.pipeline_mode<synchronous>, transform_indices = @transform_1, window_bounds = array<i64: 16, 200>}, {transform_indices = @transform_2, window_bounds = array<i64: 10000, 128>}]} {
    %eq3A = arith.constant 0 : i32
    %eq3A_0 = arith.cmpi eq, %arg0, %eq3A : i32
    %convert_element_type3A = arith.extui %eq3A_0 : i1 to i32
    %cond3A = arith.constant 0 : i32
    %cond3A_1 = arith.cmpi ne, %convert_element_type3A, %cond3A : i32
    scf.if %cond3A_1 {
      %get3A_10 = arith.constant 0 : index
      %get3A_11 = arith.constant 0 : index
      %get3A_12 = vector.load %arg2[%get3A_10, %get3A_11] : memref<16x200xf32, #tpu.memory_space<vmem>>, vector<16x200xf32>
      %iota3A = tpu.iota {dimensions = array<i32: 0>} : vector<256x16xi32>
      %iota3A_13 = tpu.iota {dimensions = array<i32: 1>} : vector<256x16xi32>
      %jit3A = arith.constant 16 : i32
      %eq3A_14 = arith.constant 0 : i32
      %eq3A_15 = arith.cmpi eq, %jit3A, %eq3A_14 : i32
      %jit3A_16 = arith.constant 1 : i32
      %select_n3A = arith.select %eq3A_15, %jit3A_16, %jit3A : i32
      %rem3A = vector.broadcast %select_n3A : i32 to vector<256x16xi32>
      %rem3A_17 = arith.remsi %iota3A, %rem3A : vector<256x16xi32>
      %ne3A = arith.constant 0 : i32
      %ne3A_18 = vector.broadcast %ne3A : i32 to vector<256x16xi32>
      %ne3A_19 = arith.cmpi ne, %rem3A_17, %ne3A_18 : vector<256x16xi32>
      %lt3A = arith.constant 0 : i32
      %lt3A_20 = vector.broadcast %lt3A : i32 to vector<256x16xi32>
      %lt3A_21 = arith.cmpi slt, %rem3A_17, %lt3A_20 : vector<256x16xi32>
      %lt3A_22 = arith.constant 0 : i32
      %lt3A_23 = arith.cmpi slt, %select_n3A, %lt3A_22 : i32
      %ne3A_24 = vector.broadcast %lt3A_23 : i1 to vector<256x16xi1>
      %ne3A_25 = vector.broadcast %ne3A_24 : vector<256x16xi1> to vector<256x16xi1>
      %ne3A_26 = arith.xori %lt3A_21, %ne3A_25 : vector<256x16xi1>
      %and3A = arith.andi %ne3A_26, %ne3A_19 : vector<256x16xi1>
      %add3A = vector.broadcast %select_n3A : i32 to vector<256x16xi32>
      %add3A_27 = arith.addi %rem3A_17, %add3A : vector<256x16xi32>
      %select_n3A_28 = arith.select %and3A, %add3A_27, %rem3A_17 : vector<256x16xi1>, vector<256x16xi32>
      %eq3A_29 = arith.cmpi eq, %iota3A_13, %select_n3A_28 : vector<256x16xi32>
      %jit3A_30 = arith.constant 1.000000e+00 : f32
      %jit3A_31 = arith.constant 0.000000e+00 : f32
      %broadcast_in_dim3A = vector.broadcast %jit3A_30 : f32 to vector<256x16xf32>
      %broadcast_in_dim3A_32 = vector.broadcast %jit3A_31 : f32 to vector<256x16xf32>
      %select_n3A_33 = arith.select %eq3A_29, %broadcast_in_dim3A, %broadcast_in_dim3A_32 : vector<256x16xi1>, vector<256x16xf32>
      %iota3A_34 = tpu.iota {dimensions = array<i32: 0>} : vector<200x3200xi32>
      %iota3A_35 = tpu.iota {dimensions = array<i32: 1>} : vector<200x3200xi32>
      %jit3A_36 = arith.constant 64 : i32
      %div3A = vector.broadcast %jit3A_36 : i32 to vector<200x3200xi32>
      %div3A_37 = arith.divsi %iota3A_35, %div3A : vector<200x3200xi32>
      %sign3A = arith.constant 0 : i32
      %sign3A_38 = vector.broadcast %sign3A : i32 to vector<200x3200xi32>
      %sign3A_39 = arith.cmpi sgt, %iota3A_35, %sign3A_38 : vector<200x3200xi32>
      %sign3A_40 = arith.extui %sign3A_39 : vector<200x3200xi1> to vector<200x3200xi32>
      %sign3A_41 = arith.constant 0 : i32
      %sign3A_42 = vector.broadcast %sign3A_41 : i32 to vector<200x3200xi32>
      %sign3A_43 = arith.cmpi slt, %iota3A_35, %sign3A_42 : vector<200x3200xi32>
      %sign3A_44 = arith.extui %sign3A_43 : vector<200x3200xi1> to vector<200x3200xi32>
      %sign3A_45 = arith.subi %sign3A_40, %sign3A_44 : vector<200x3200xi32>
      %sign3A_46 = arith.constant 0 : i32
      %sign3A_47 = arith.cmpi sgt, %jit3A_36, %sign3A_46 : i32
      %sign3A_48 = arith.extui %sign3A_47 : i1 to i32
      %sign3A_49 = arith.constant 0 : i32
      %sign3A_50 = arith.cmpi slt, %jit3A_36, %sign3A_49 : i32
      %sign3A_51 = arith.extui %sign3A_50 : i1 to i32
      %sign3A_52 = arith.subi %sign3A_48, %sign3A_51 : i32
      %ne3A_53 = vector.broadcast %sign3A_52 : i32 to vector<200x3200xi32>
      %ne3A_54 = arith.cmpi ne, %sign3A_45, %ne3A_53 : vector<200x3200xi32>
      %rem3A_55 = vector.broadcast %jit3A_36 : i32 to vector<200x3200xi32>
      %rem3A_56 = arith.remsi %iota3A_35, %rem3A_55 : vector<200x3200xi32>
      %ne3A_57 = arith.constant 0 : i32
      %ne3A_58 = vector.broadcast %ne3A_57 : i32 to vector<200x3200xi32>
      %ne3A_59 = arith.cmpi ne, %rem3A_56, %ne3A_58 : vector<200x3200xi32>
      %and3A_60 = arith.andi %ne3A_54, %ne3A_59 : vector<200x3200xi1>
      %sub3A = arith.constant 1 : i32
      %sub3A_61 = vector.broadcast %sub3A : i32 to vector<200x3200xi32>
      %sub3A_62 = arith.subi %div3A_37, %sub3A_61 : vector<200x3200xi32>
      %select_n3A_63 = arith.select %and3A_60, %sub3A_62, %div3A_37 : vector<200x3200xi1>, vector<200x3200xi32>
      %mul3A = arith.constant 4 : i32
      %mul3A_64 = vector.broadcast %mul3A : i32 to vector<200x3200xi32>
      %mul3A_65 = arith.muli %select_n3A_63, %mul3A_64 : vector<200x3200xi32>
      %jit3A_66 = arith.constant 4 : i32
      %eq3A_67 = arith.constant 0 : i32
      %eq3A_68 = arith.cmpi eq, %jit3A_66, %eq3A_67 : i32
      %jit3A_69 = arith.constant 1 : i32
      %select_n3A_70 = arith.select %eq3A_68, %jit3A_69, %jit3A_66 : i32
      %rem3A_71 = vector.broadcast %select_n3A_70 : i32 to vector<200x3200xi32>
      %rem3A_72 = arith.remsi %iota3A_35, %rem3A_71 : vector<200x3200xi32>
      %ne3A_73 = arith.constant 0 : i32
      %ne3A_74 = vector.broadcast %ne3A_73 : i32 to vector<200x3200xi32>
      %ne3A_75 = arith.cmpi ne, %rem3A_72, %ne3A_74 : vector<200x3200xi32>
      %lt3A_76 = arith.constant 0 : i32
      %lt3A_77 = vector.broadcast %lt3A_76 : i32 to vector<200x3200xi32>
      %lt3A_78 = arith.cmpi slt, %rem3A_72, %lt3A_77 : vector<200x3200xi32>
      %lt3A_79 = arith.constant 0 : i32
      %lt3A_80 = arith.cmpi slt, %select_n3A_70, %lt3A_79 : i32
      %ne3A_81 = vector.broadcast %lt3A_80 : i1 to vector<200x3200xi1>
      %ne3A_82 = vector.broadcast %ne3A_81 : vector<200x3200xi1> to vector<200x3200xi1>
      %ne3A_83 = arith.xori %lt3A_78, %ne3A_82 : vector<200x3200xi1>
      %and3A_84 = arith.andi %ne3A_83, %ne3A_75 : vector<200x3200xi1>
      %add3A_85 = vector.broadcast %select_n3A_70 : i32 to vector<200x3200xi32>
      %add3A_86 = arith.addi %rem3A_72, %add3A_85 : vector<200x3200xi32>
      %select_n3A_87 = arith.select %and3A_84, %add3A_86, %rem3A_72 : vector<200x3200xi1>, vector<200x3200xi32>
      %add3A_88 = arith.addi %mul3A_65, %select_n3A_87 : vector<200x3200xi32>
      %eq3A_89 = arith.cmpi eq, %iota3A_34, %add3A_88 : vector<200x3200xi32>
      %jit3A_90 = arith.constant 1.000000e+00 : f32
      %jit3A_91 = arith.constant 0.000000e+00 : f32
      %broadcast_in_dim3A_92 = vector.broadcast %jit3A_90 : f32 to vector<200x3200xf32>
      %broadcast_in_dim3A_93 = vector.broadcast %jit3A_91 : f32 to vector<200x3200xf32>
      %select_n3A_94 = arith.select %eq3A_89, %broadcast_in_dim3A_92, %broadcast_in_dim3A_93 : vector<200x3200xi1>, vector<200x3200xf32>
      %dot_general3A_95 = arith.constant dense<0.000000e+00> : vector<256x200xf32>
      %dot_general3A_96 = tpu.matmul %select_n3A_33, %get3A_12, %dot_general3A_95 {dimension_numbers = #tpu.dot_dimension_numbers<[1], [0], [0], [1], [0, 0, 1, 1], [], []>, transpose_lhs_hint = false} : vector<256x16xf32>, vector<16x200xf32>, vector<256x200xf32> -> vector<256x200xf32>
      %dot_general3A_97 = arith.constant dense<0.000000e+00> : vector<256x3200xf32>
      %dot_general3A_98 = tpu.matmul %dot_general3A_96, %select_n3A_94, %dot_general3A_97 {dimension_numbers = #tpu.dot_dimension_numbers<[1], [0], [0], [1], [0, 0, 1, 1], [], []>, transpose_lhs_hint = false} : vector<256x200xf32>, vector<200x3200xf32>, vector<256x3200xf32> -> vector<256x3200xf32>
      %iota3A_99 = tpu.iota {dimensions = array<i32: 0>} : vector<256x3200xi32>
      %iota3A_100 = tpu.iota {dimensions = array<i32: 1>} : vector<256x3200xi32>
      %jit3A_101 = arith.constant 16 : i32
      %div3A_102 = vector.broadcast %jit3A_101 : i32 to vector<256x3200xi32>
      %div3A_103 = arith.divsi %iota3A_99, %div3A_102 : vector<256x3200xi32>
      %sign3A_104 = arith.constant 0 : i32
      %sign3A_105 = vector.broadcast %sign3A_104 : i32 to vector<256x3200xi32>
      %sign3A_106 = arith.cmpi sgt, %iota3A_99, %sign3A_105 : vector<256x3200xi32>
      %sign3A_107 = arith.extui %sign3A_106 : vector<256x3200xi1> to vector<256x3200xi32>
      %sign3A_108 = arith.constant 0 : i32
      %sign3A_109 = vector.broadcast %sign3A_108 : i32 to vector<256x3200xi32>
      %sign3A_110 = arith.cmpi slt, %iota3A_99, %sign3A_109 : vector<256x3200xi32>
      %sign3A_111 = arith.extui %sign3A_110 : vector<256x3200xi1> to vector<256x3200xi32>
      %sign3A_112 = arith.subi %sign3A_107, %sign3A_111 : vector<256x3200xi32>
      %sign3A_113 = arith.constant 0 : i32
      %sign3A_114 = arith.cmpi sgt, %jit3A_101, %sign3A_113 : i32
      %sign3A_115 = arith.extui %sign3A_114 : i1 to i32
      %sign3A_116 = arith.constant 0 : i32
      %sign3A_117 = arith.cmpi slt, %jit3A_101, %sign3A_116 : i32
      %sign3A_118 = arith.extui %sign3A_117 : i1 to i32
      %sign3A_119 = arith.subi %sign3A_115, %sign3A_118 : i32
      %ne3A_120 = vector.broadcast %sign3A_119 : i32 to vector<256x3200xi32>
      %ne3A_121 = arith.cmpi ne, %sign3A_112, %ne3A_120 : vector<256x3200xi32>
      %rem3A_122 = vector.broadcast %jit3A_101 : i32 to vector<256x3200xi32>
      %rem3A_123 = arith.remsi %iota3A_99, %rem3A_122 : vector<256x3200xi32>
      %ne3A_124 = arith.constant 0 : i32
      %ne3A_125 = vector.broadcast %ne3A_124 : i32 to vector<256x3200xi32>
      %ne3A_126 = arith.cmpi ne, %rem3A_123, %ne3A_125 : vector<256x3200xi32>
      %and3A_127 = arith.andi %ne3A_121, %ne3A_126 : vector<256x3200xi1>
      %sub3A_128 = arith.constant 1 : i32
      %sub3A_129 = vector.broadcast %sub3A_128 : i32 to vector<256x3200xi32>
      %sub3A_130 = arith.subi %div3A_103, %sub3A_129 : vector<256x3200xi32>
      %select_n3A_131 = arith.select %and3A_127, %sub3A_130, %div3A_103 : vector<256x3200xi1>, vector<256x3200xi32>
      %jit3A_132 = arith.constant 64 : i32
      %eq3A_133 = arith.constant 0 : i32
      %eq3A_134 = arith.cmpi eq, %jit3A_132, %eq3A_133 : i32
      %jit3A_135 = arith.constant 1 : i32
      %select_n3A_136 = arith.select %eq3A_134, %jit3A_135, %jit3A_132 : i32
      %rem3A_137 = vector.broadcast %select_n3A_136 : i32 to vector<256x3200xi32>
      %rem3A_138 = arith.remsi %iota3A_100, %rem3A_137 : vector<256x3200xi32>
      %ne3A_139 = arith.constant 0 : i32
      %ne3A_140 = vector.broadcast %ne3A_139 : i32 to vector<256x3200xi32>
      %ne3A_141 = arith.cmpi ne, %rem3A_138, %ne3A_140 : vector<256x3200xi32>
      %lt3A_142 = arith.constant 0 : i32
      %lt3A_143 = vector.broadcast %lt3A_142 : i32 to vector<256x3200xi32>
      %lt3A_144 = arith.cmpi slt, %rem3A_138, %lt3A_143 : vector<256x3200xi32>
      %lt3A_145 = arith.constant 0 : i32
      %lt3A_146 = arith.cmpi slt, %select_n3A_136, %lt3A_145 : i32
      %ne3A_147 = vector.broadcast %lt3A_146 : i1 to vector<256x3200xi1>
      %ne3A_148 = vector.broadcast %ne3A_147 : vector<256x3200xi1> to vector<256x3200xi1>
      %ne3A_149 = arith.xori %lt3A_144, %ne3A_148 : vector<256x3200xi1>
      %and3A_150 = arith.andi %ne3A_149, %ne3A_141 : vector<256x3200xi1>
      %add3A_151 = vector.broadcast %select_n3A_136 : i32 to vector<256x3200xi32>
      %add3A_152 = arith.addi %rem3A_138, %add3A_151 : vector<256x3200xi32>
      %select_n3A_153 = arith.select %and3A_150, %add3A_152, %rem3A_138 : vector<256x3200xi1>, vector<256x3200xi32>
      %jit3A_154 = arith.constant 4 : i32
      %div3A_155 = vector.broadcast %jit3A_154 : i32 to vector<256x3200xi32>
      %div3A_156 = arith.divsi %select_n3A_153, %div3A_155 : vector<256x3200xi32>
      %sign3A_157 = arith.constant 0 : i32
      %sign3A_158 = vector.broadcast %sign3A_157 : i32 to vector<256x3200xi32>
      %sign3A_159 = arith.cmpi sgt, %select_n3A_153, %sign3A_158 : vector<256x3200xi32>
      %sign3A_160 = arith.extui %sign3A_159 : vector<256x3200xi1> to vector<256x3200xi32>
      %sign3A_161 = arith.constant 0 : i32
      %sign3A_162 = vector.broadcast %sign3A_161 : i32 to vector<256x3200xi32>
      %sign3A_163 = arith.cmpi slt, %select_n3A_153, %sign3A_162 : vector<256x3200xi32>
      %sign3A_164 = arith.extui %sign3A_163 : vector<256x3200xi1> to vector<256x3200xi32>
      %sign3A_165 = arith.subi %sign3A_160, %sign3A_164 : vector<256x3200xi32>
      %sign3A_166 = arith.constant 0 : i32
      %sign3A_167 = arith.cmpi sgt, %jit3A_154, %sign3A_166 : i32
      %sign3A_168 = arith.extui %sign3A_167 : i1 to i32
      %sign3A_169 = arith.constant 0 : i32
      %sign3A_170 = arith.cmpi slt, %jit3A_154, %sign3A_169 : i32
      %sign3A_171 = arith.extui %sign3A_170 : i1 to i32
      %sign3A_172 = arith.subi %sign3A_168, %sign3A_171 : i32
      %ne3A_173 = vector.broadcast %sign3A_172 : i32 to vector<256x3200xi32>
      %ne3A_174 = arith.cmpi ne, %sign3A_165, %ne3A_173 : vector<256x3200xi32>
      %rem3A_175 = vector.broadcast %jit3A_154 : i32 to vector<256x3200xi32>
      %rem3A_176 = arith.remsi %select_n3A_153, %rem3A_175 : vector<256x3200xi32>
      %ne3A_177 = arith.constant 0 : i32
      %ne3A_178 = vector.broadcast %ne3A_177 : i32 to vector<256x3200xi32>
      %ne3A_179 = arith.cmpi ne, %rem3A_176, %ne3A_178 : vector<256x3200xi32>
      %and3A_180 = arith.andi %ne3A_174, %ne3A_179 : vector<256x3200xi1>
      %sub3A_181 = arith.constant 1 : i32
      %sub3A_182 = vector.broadcast %sub3A_181 : i32 to vector<256x3200xi32>
      %sub3A_183 = arith.subi %div3A_156, %sub3A_182 : vector<256x3200xi32>
      %select_n3A_184 = arith.select %and3A_180, %sub3A_183, %div3A_156 : vector<256x3200xi1>, vector<256x3200xi32>
      %eq3A_185 = arith.cmpi eq, %select_n3A_131, %select_n3A_184 : vector<256x3200xi32>
      %jit3A_186 = arith.constant 0.000000e+00 : f32
      %broadcast_in_dim3A_187 = vector.broadcast %jit3A_186 : f32 to vector<256x3200xf32>
      %select_n3A_188 = arith.select %eq3A_185, %dot_general3A_98, %broadcast_in_dim3A_187 : vector<256x3200xi1>, vector<256x3200xf32>
      %swap3A_189 = arith.constant 0 : index
      %swap3A_190 = arith.constant 0 : index
      %swap3A_191 = vector.load %arg4[%swap3A_189, %swap3A_190] : memref<256x3200xf32, #tpu.memory_space<vmem>>, vector<256x3200xf32>
      tpu.vector_store %arg4[%swap3A_189, %swap3A_190], %select_n3A_188 {strides = array<i32>} : memref<256x3200xf32, #tpu.memory_space<vmem>>, vector<256x3200xf32>,
    } else {
    }
    %get3A = arith.constant 0 : index
    %get3A_2 = arith.constant 0 : index
    %get3A_3 = vector.load %arg1[%get3A, %get3A_2] : memref<400x256xf32, #tpu.memory_space<vmem>>, vector<400x256xf32>
    %get3A_4 = arith.constant 0 : index
    %get3A_5 = arith.constant 0 : index
    %get3A_6 = vector.load %arg4[%get3A_4, %get3A_5] : memref<256x3200xf32, #tpu.memory_space<vmem>>, vector<256x3200xf32>
    %dot_general3A = arith.constant dense<0.000000e+00> : vector<400x3200xf32>
    %dot_general3A_7 = tpu.matmul %get3A_3, %get3A_6, %dot_general3A {dimension_numbers = #tpu.dot_dimension_numbers<[1], [0], [0], [1], [0, 0, 1, 1], [], []>, transpose_lhs_hint = false} : vector<400x256xf32>, vector<256x3200xf32>, vector<400x3200xf32> -> vector<400x3200xf32>
    %reshape3A = vector.shape_cast %dot_general3A_7 : vector<400x3200xf32> to vector<10000x128xf32>
    %swap3A = arith.constant 0 : index
    %swap3A_8 = arith.constant 0 : index
    %swap3A_9 = vector.load %arg3[%swap3A, %swap3A_8] : memref<10000x128xf32, #tpu.memory_space<vmem>>, vector<10000x128xf32>
    tpu.vector_store %arg3[%swap3A, %swap3A_8], %reshape3A {strides = array<i32>} : memref<10000x128xf32, #tpu.memory_space<vmem>>, vector<10000x128xf32>,
    return
  }
  func.func @transform_0(%arg0: i32) -> (i32, i32) {
    %c0_i32 = arith.constant 0 : i32
    %c0_i32_0 = arith.constant 0 : i32
    return %arg0, %c0_i32 : i32, i32
  }
  func.func @transform_1(%arg0: i32) -> (i32, i32) {
    %c0_i32 = arith.constant 0 : i32
    %c0_i32_0 = arith.constant 0 : i32
    %c0_i32_1 = arith.constant 0 : i32
    return %c0_i32, %c0_i32_0 : i32, i32
  }
  func.func @transform_2(%arg0: i32) -> (i32, i32) {
    %c0_i32 = arith.constant 0 : i32
    %c0_i32_0 = arith.constant 0 : i32
    return %arg0, %c0_i32 : i32, i32
  }
}

module attributes {stable_mosaic.version = 14 : i64} {
  func.func @_w12_body(%arg0: memref<1x50x4x16xf32, #tpu.memory_space<vmem>>, %arg1: memref<16x40x4x16xf32, #tpu.memory_space<vmem>>, %arg2: memref<2000x256xf32, #tpu.memory_space<vmem>>) attributes {dimension_semantics = [], scalar_prefetch = 0 : i64, scratch_operands = 0 : i64, tpu.core_type = #tpu.core_type<tc>} {
    %get3A = arith.constant 0 : index
    %get3A_0 = arith.constant 0 : index
    %get3A_1 = arith.constant 0 : index
    %get3A_2 = arith.constant 0 : index
    %get3A_3 = vector.load %arg0[%get3A, %get3A_0, %get3A_1, %get3A_2] : memref<1x50x4x16xf32, #tpu.memory_space<vmem>>, vector<1x50x4x16xf32>
    %reshape3A = vector.shape_cast %get3A_3 : vector<1x50x4x16xf32> to vector<200x16xf32>
    %get3A_4 = arith.constant 0 : index
    %get3A_5 = arith.constant 0 : index
    %get3A_6 = arith.constant 0 : index
    %get3A_7 = arith.constant 0 : index
    %get3A_8 = vector.load %arg1[%get3A_4, %get3A_5, %get3A_6, %get3A_7] : memref<16x40x4x16xf32, #tpu.memory_space<vmem>>, vector<16x40x4x16xf32>
    %reshape3A_9 = vector.shape_cast %get3A_8 : vector<16x40x4x16xf32> to vector<16x2560xf32>
    %dot_general3A = arith.constant dense<0.000000e+00> : vector<200x2560xf32>
    %dot_general3A_10 = tpu.matmul %reshape3A, %reshape3A_9, %dot_general3A {dimension_numbers = #tpu.dot_dimension_numbers<[1], [0], [0], [1], [0, 0, 1, 1], [], []>, transpose_lhs_hint = false} : vector<200x16xf32>, vector<16x2560xf32>, vector<200x2560xf32> -> vector<200x2560xf32>
    %reshape3A_11 = vector.shape_cast %dot_general3A_10 : vector<200x2560xf32> to vector<50x4x40x64xf32>
    %transpose3A = tpu.transpose %reshape3A_11, [0, 2, 1, 3] : vector<50x4x40x64xf32> -> vector<50x40x4x64xf32>
    %reshape3A_12 = vector.shape_cast %transpose3A : vector<50x40x4x64xf32> to vector<2000x256xf32>
    %swap3A = arith.constant 0 : index
    %swap3A_13 = arith.constant 0 : index
    %swap3A_14 = vector.load %arg2[%swap3A, %swap3A_13] : memref<2000x256xf32, #tpu.memory_space<vmem>>, vector<2000x256xf32>
    tpu.vector_store %arg2[%swap3A, %swap3A_13], %reshape3A_12 {strides = array<i32>} : memref<2000x256xf32, #tpu.memory_space<vmem>>, vector<2000x256xf32>,
    return
  }
}

module attributes {stable_mosaic.version = 14 : i64} {
  func.func @_format_body(%arg0: i32, %arg1: memref<4096x128xf32, #tpu.memory_space<vmem>>, %arg2: memref<26x4096xf32, #tpu.memory_space<vmem>>, %arg3: memref<64x4096xf32, #tpu.memory_space<vmem>>) attributes {dimension_semantics = [#tpu.dimension_semantics<arbitrary>], iteration_bounds = array<i64: 26>, scalar_prefetch = 0 : i64, scratch_operands = 0 : i64, tpu.core_type = #tpu.core_type<tc>, window_params = [{transform_indices = @transform_0, window_bounds = array<i64: 4096, 128>}, {pipeline_mode = #tpu.pipeline_mode<synchronous>, transform_indices = @transform_1, window_bounds = array<i64: 26, 4096>}, {transform_indices = @transform_2, window_bounds = array<i64: 64, 4096>}]} {
    %get3A = arith.constant 0 : index
    %get3A_0 = arith.constant 0 : index
    %get3A_1 = vector.load %arg1[%get3A, %get3A_0] : memref<4096x128xf32, #tpu.memory_space<vmem>>, vector<4096x128xf32>
    %get3A_2 = arith.index_cast %arg0 : i32 to index
    %get3A_3 = arith.constant 0 : index
    %get3A_4 = vector.load %arg2[%get3A_2, %get3A_3] : memref<26x4096xf32, #tpu.memory_space<vmem>>, vector<1x4096xf32>
    %iota3A = tpu.iota {dimensions = array<i32: 0>} : vector<128x128xi32>
    %iota3A_5 = tpu.iota {dimensions = array<i32: 1>} : vector<128x128xi32>
    %eq3A = arith.cmpi eq, %iota3A, %iota3A_5 : vector<128x128xi32>
    %jit3A = arith.constant 1.000000e+00 : f32
    %jit3A_6 = arith.constant 0.000000e+00 : f32
    %broadcast_in_dim3A = vector.broadcast %jit3A : f32 to vector<128x128xf32>
    %broadcast_in_dim3A_7 = vector.broadcast %jit3A_6 : f32 to vector<128x128xf32>
    %select_n3A = arith.select %eq3A, %broadcast_in_dim3A, %broadcast_in_dim3A_7 : vector<128x128xi1>, vector<128x128xf32>
    %dot_general3A = arith.constant dense<0.000000e+00> : vector<128x4096xf32>
    %dot_general3A_8 = tpu.matmul %select_n3A, %get3A_1, %dot_general3A {dimension_numbers = #tpu.dot_dimension_numbers<[1], [1], [0], [0], [0, 0, 1, 0], [], []>, transpose_lhs_hint = false} : vector<128x128xf32>, vector<4096x128xf32>, vector<128x4096xf32> -> vector<128x4096xf32>
    %gt3A = arith.constant 5.000000e-01 : f32
    %gt3A_9 = vector.broadcast %gt3A : f32 to vector<1x4096xf32>
    %gt3A_10 = arith.cmpf ogt, %get3A_4, %gt3A_9 : vector<1x4096xf32>
    %slice3A = vector.extract_strided_slice %dot_general3A_8 {offsets = [64, 0], sizes = [64, 4096], strides = [1, 1]} : vector<128x4096xf32> to vector<64x4096xf32>
    %slice3A_11 = vector.extract_strided_slice %dot_general3A_8 {offsets = [0, 0], sizes = [64, 4096], strides = [1, 1]} : vector<128x4096xf32> to vector<64x4096xf32>
    %broadcast_in_dim3A_12 = vector.shape_cast %gt3A_10 : vector<1x4096xi1> to vector<1x4096xi1>
    %broadcast_in_dim3A_13 = vector.broadcast %broadcast_in_dim3A_12 : vector<1x4096xi1> to vector<64x4096xi1>
    %select_n3A_14 = arith.select %broadcast_in_dim3A_13, %slice3A, %slice3A_11 : vector<64x4096xi1>, vector<64x4096xf32>
    %swap3A = arith.constant 0 : index
    %swap3A_15 = arith.constant 0 : index
    %swap3A_16 = vector.load %arg3[%swap3A, %swap3A_15] : memref<64x4096xf32, #tpu.memory_space<vmem>>, vector<64x4096xf32>
    tpu.vector_store %arg3[%swap3A, %swap3A_15], %select_n3A_14 {strides = array<i32>} : memref<64x4096xf32, #tpu.memory_space<vmem>>, vector<64x4096xf32>,
    return
  }
  func.func @transform_0(%arg0: i32) -> (i32, i32) {
    %c0_i32 = arith.constant 0 : i32
    %c0_i32_0 = arith.constant 0 : i32
    return %arg0, %c0_i32 : i32, i32
  }
  func.func @transform_1(%arg0: i32) -> (i32, i32) {
    %c0_i32 = arith.constant 0 : i32
    %c0_i32_0 = arith.constant 0 : i32
    %c0_i32_1 = arith.constant 0 : i32
    return %c0_i32, %c0_i32_0 : i32, i32
  }
  func.func @transform_2(%arg0: i32) -> (i32, i32) {
    %c0_i32 = arith.constant 0 : i32
    %c0_i32_0 = arith.constant 0 : i32
    return %arg0, %c0_i32 : i32, i32
  }
}

</mosaic_0001>

<sc_bundles>
// kernel: kernel.6.cloned.1.call-start
scs
__scs_entry_jumppad:
0x0: {  	(pc) =	sbr.rel $0x88, $3  }
0x1: {  	(tag) =	ssettag $0x0;
	lr =	simm.s32 $0x1  }
0x2: {  	[smem:$0x3F9D] =	sst lr;
	_ =	strace $0xD0000000  }
0x3: {  	_ = 	snop  }
0x4: {  	_ = 	snop  }
0x5: {  	_ = 	snop  }
0x6: {  	_ = 	snop  }
0x7: {  	_ = 	snop  }
__scs_overlays_trampoline_lowered:
0x8: {  	[smem:$0x3FAC] =	sst s0  }
0x9: {  	[smem:$0x3FAD] =	sst s1  }
0xa: {  	[smem:$0x3FAE] =	sst s2  }
0xb: {  	[smem:$0x3FAF] =	sst s3  }
0xc: {  	[smem:$0x3FB0] =	sst s4  }
0xd: {  	[smem:$0x3FB1] =	sst s5  }
0xe: {  	[smem:$0x3FB2] =	sst s6  }
0xf: {  	[smem:$0x3FB3] =	sst s7  }
0x10: {  	[smem:$0x3FB4] =	sst s8  }
0x11: {  	[smem:$0x3FB5] =	sst s9;
	s0 =	simm.s32 @!p0 $0x0  }
0x12: {  	s1 =	sld [smem:$0x3F9B];
	s0 =	simm.s32 @p0 $0x1  }
0x13: {  	[smem:$0x3FB6] =	sst s0;
	s0 =	simm.s32 @!p1 $0x0  }
0x14: {  	s2 =	sld [smem:$0x3F9A];
	s0 =	simm.s32 @p1 $0x1  }
0x15: {  	[smem:$0x3FB7] =	sst s0;
	s0 =	simm.s32 @!p2 $0x0  }
0x16: {  	s3 =	sld [smem:$0x3FDB];
	s0 =	simm.s32 @p2 $0x1  }
0x17: {  	s4 =	simm.s32 $0x1BF5;
	[smem:$0x3FB9] =	sst s0  }
0x18: {  	s0 =	sld [smem:$0x3F9C];
	_ =	swait.ge [sflag:s4], $0x0  }
0x19: {  	s7 =	sld [smem:$0x3F9D]  }
0x1a: {  	s8 =	sadd.s32 $0xFFFFE003, lr  }
0x1b: {  	s9 =	sadd.s32 $0xFFFFFEF7, lr;
	s5 =	simm.s32 $0xFFFFFFFF;
	p2 =	slt.u32 s8, $0xFFFFF086  }
0x1c: {  	p1 =	slt.u32 s9, $0xF7A;
	s5 =	simm.s32 @!p2 $0x0  }
0x1d: {  	s5 =	simm.s32 @p1 $0x1;
	p0 =	seq.s32 s7, s2  }
0x1e: {  	s7 =	smul.u32 @!p0 $0xF7A, s2;
	p2 =	seq.s32 @!p0 s5, $0x0  }
0x1f: {  	s9 =	smul.u32 $0xF7A, s1;
	s8 =	simm.s32 @!p0 $0x1BF5;
	p2 =	por !p2, p0  }
0x20: {  	[sflag:s8] =	ssyncset.s32 @!p0 $0xFFFFF086;
	s6 =	sadd.s32 @!p0 s3, s7;
	s7 =	simm.s32 @!p0 $0x108  }
0x21: {  	s3 =	sadd.s32 s3, s9;
	s6 =	sadd.s32 @!p0 $0x88, s6;
	s7 =	simm.s32 @p2 $0x1082  }
0x22: {  	[simem:s7], [sflag:s8] =	dma.local @!p0 [hbm:s6], $0xF7A  }
0x23: {  	s9 =	sor.u32 $0xD0000000, s2;
	s6 =	simm.s32 $0x108;
	_ =	swait.ge @!p0 [sflag:s8], $0x0  }
0x24: {  	s3 =	sadd.s32 $0x88, s3;
	s6 =	simm.s32 @!p1 $0x1082;
	[sflag:s4] =	ssyncset.s32 $0xFFFFF086  }
0x25: {  	[simem:s6], [sflag:s4] =	dma.local [hbm:s3], $0xF7A  }
0x26: {  	[smem:$0x3F9D] =	sst s1;
	(tag) =	ssettag s2;
	_ =	strace s9  }
0x27: {  	s1 =	sld [smem:$0x3FAD]  }
0x28: {  	s2 =	sld [smem:$0x3FAE]  }
0x29: {  	s4 =	sld [smem:$0x3FB0]  }
0x2a: {  	p0 =	seq.s32 s5, $0x0;
	s5 =	sld [smem:$0x3FB1]  }
0x2b: {  	s6 =	sld [smem:$0x3FB2]  }
0x2c: {  	s7 =	sld [smem:$0x3FB3]  }
0x2d: {  	s3 =	simm.s32 $0x108;
	s8 =	sld [smem:$0x3FB4]  }
0x2e: {  	s3 =	simm.s32 @!p0 $0x1082;
	s9 =	sld [smem:$0x3FB5]  }
0x2f: {  	lr =	sadd.s32 s0, s3;
	s0 =	sld [smem:$0x3FAC]  }
0x30: {  	s3 =	sld [smem:$0x3FAF]  }
0x31: {  	[smem:$0x3FB8] =	sst s10  }
0x32: {  	s10 =	sld [smem:$0x3FB6];
	_ =	sdelay $0x3  }
0x33: {  	p0 =	seq.s32 s10, $0x1;
	s10 =	sld [smem:$0x3FB8];
	_ =	sdelay $0x3  }
0x34: {  	[smem:$0x3FB8] =	sst s10  }
0x35: {  	s10 =	sld [smem:$0x3FB7];
	_ =	sdelay $0x3  }
0x36: {  	p1 =	seq.s32 s10, $0x1;
	s10 =	sld [smem:$0x3FB8];
	_ =	sdelay $0x3  }
0x37: {  	[smem:$0x3FB8] =	sst s10  }
0x38: {  	s10 =	sld [smem:$0x3FB9]  }
0x39: {  	_ = 	snop;
	(pc) =	sbr.ind lr, $3  }
0x3a: {  	_ = 	snop  }
0x3b: {  	_ = 	snop  }
0x3c: {  	p2 =	seq.s32 s10, $0x1;
	s10 =	sld [smem:$0x3FB8]  }
0x3d: {  	_ =	shalt  }
0x3e: {  	_ =	shalt  }
0x3f: {  	_ =	shalt  }
0x40: {  	_ =	shalt  }
0x41: {  	_ =	shalt  }
0x42: {  	_ =	shalt  }
0x43: {  	_ =	shalt  }
0x44: {  	_ =	shalt  }
0x45: {  	_ =	shalt  }
0x46: {  	_ =	shalt  }
0x47: {  	_ =	shalt  }
0x48: {  	_ =	shalt  }
0x49: {  	_ =	shalt  }
0x4a: {  	_ =	shalt  }
0x4b: {  	_ =	shalt  }
0x4c: {  	_ =	shalt  }
0x4d: {  	_ =	shalt  }
0x4e: {  	_ =	shalt  }
0x4f: {  	_ =	shalt  }
0x50: {  	_ =	shalt  }
0x51: {  	_ =	shalt  }
0x52: {  	_ =	shalt  }
0x53: {  	_ =	shalt  }
0x54: {  	_ =	shalt  }
0x55: {  	_ =	shalt  }
0x56: {  	_ =	shalt  }
0x57: {  	_ =	shalt  }
0x58: {  	_ =	shalt  }
0x59: {  	_ =	shalt  }
0x5a: {  	_ =	shalt  }
0x5b: {  	_ =	shalt  }
0x5c: {  	_ =	shalt  }
0x5d: {  	_ =	shalt  }
0x5e: {  	_ =	shalt  }
0x5f: {  	_ =	shalt  }
0x60: {  	_ =	shalt  }
0x61: {  	_ =	shalt  }
0x62: {  	_ =	shalt  }
0x63: {  	_ =	shalt  }
0x64: {  	_ =	shalt  }
0x65: {  	_ =	shalt  }
0x66: {  	_ =	shalt  }
0x67: {  	_ =	shalt  }
0x68: {  	_ =	shalt  }
0x69: {  	_ =	shalt  }
0x6a: {  	_ =	shalt  }
0x6b: {  	_ =	shalt  }
0x6c: {  	_ =	shalt  }
0x6d: {  	_ =	shalt  }
0x6e: {  	_ =	shalt  }
0x6f: {  	_ =	shalt  }
0x70: {  	_ =	shalt  }
0x71: {  	_ =	shalt  }
0x72: {  	_ =	shalt  }
0x73: {  	_ =	shalt  }
0x74: {  	_ =	shalt  }
0x75: {  	_ =	shalt  }
0x76: {  	_ =	shalt  }
0x77: {  	_ =	shalt  }
0x78: {  	_ =	shalt  }
0x79: {  	_ =	shalt  }
0x7a: {  	_ =	shalt  }
0x7b: {  	_ =	shalt  }
0x7c: {  	_ =	shalt  }
0x7d: {  	_ =	shalt  }
0x7e: {  	_ =	shalt  }
0x7f: {  	_ =	shalt  }
0x80: {  	_ =	shalt  }
0x81: {  	_ =	shalt  }
0x82: {  	_ =	shalt  }
0x83: {  	_ =	shalt  }
0x84: {  	_ =	shalt  }
0x85: {  	_ =	shalt  }
0x86: {  	_ =	shalt  }
0x87: {  	_ =	shalt  }
.Lfunc_end0:
.L_simem_size_0:
called_computation_lowered:
.L_overlay_start_0:
0x88: {  	s2 =	sld [smem:$0x3FD9]  }
0x89: {  	s3 =	sld [smem:$0x3FFE];
	_ =	sdelay $0x1  }
0x8a: {  	s1 =	srdreg.scid  }
0x8b: {  	s0 =	sand.u32 $0x1, s1  }
0x8c: {  	s17 =	sshll.u32 s0, $0xA;
	s2 =	sadd.s32 s3, s2  }
0x8d: {  	s2 =	sadd.s32 s2, s17  }
0x8e: {  	[smem:$0x3FC4] =	sst s2  }
0x8f: {  	_ = 	snop  }
0x90: {  	s2 =	sld [smem:$0x3FD0];
	(tm) =	ssettm $0x1  }
0x91: {  	s18 =	sld [smem:$0x3FFB];
	_ =	sdelay $0x3  }
0x92: {  	_ =	strace s18  }
0x93: {  	s3 =	sld [smem:$0x3FFC];
	_ =	sdelay $0x3  }
0x94: {  	_ =	strace s3  }
0x95: {  	s3 =	sld [smem:$0x3FFD];
	_ =	sdelay $0x3  }
0x96: {  	_ =	strace s3  }
0x97: {  	_ =	strace $0x8FFFFFFF  }
0x98: {  	s19 =	sld [smem:$0x3FDB];
	_ =	sdelay $0x1  }
0x99: {  	s4 =	simm.s32 $_scs_section_size  }
0x9a: {  	s5 =	simm.s32 $_size__tile_overlayer_lowered;
	s6 =	simm.s32 $_tile_overlayer_lowered  }
0x9b: {  	s22 =	simm.s32 $0x1BFF;
	s21 =	sshll.u32 s6, $0x1;
	s3 =	sadd.s32 s4, s19  }
0x9c: {  	s7 =	simm.s32 $0x0;
	s20 =	sshll.u32 s5, $0x1;
	s5 =	sadd.s32 s21, s3  }
0x9d: {  	[timem:s7], [sflag:s22] =	dma.local [hbm:s5], s20  }
0x9e: {  	_ =	swait.ge [sflag:s22], s20  }
0x9f: {  	s4 =	ssub.s32 $0x0, s20;
	[sflag:s22] =	ssyncset.done $0x0  }
0xa0: {  	[sflag:s22] =	ssyncadd.s32 s4;
	_ =	sdelay $0x1  }
0xa1: {  	s23 =	simm.s32 $0x1B8B  }
0xa2: {  	_ =	swait.ge [sflag:s23], $0x1  }
0xa3: {  	[sflag:s23] =	ssyncset.done $0x0  }
0xa4: {  	s25 =	simm.s32 $0x1B8E;
	s24 =	sld [smem:$0x3FFE];
	[sflag:s23] =	ssyncadd.s32 $0xFFFFFFFF  }
0xa5: {  	s26 =	simm.s32 $execute0_lowered;
	[smem:$0x3FD2] =	sst s25  }
0xa6: {  	s5 =	sshll.u32 s26, $0x1;
	_ =	strace $0x80000046;
	[dreg:$0x1] =	wrdreg $0xFFFFFFFF  }
0xa7: {  	s28 =	simm.s32 $_size_execute0_lowered;
	s3 =	sadd.s32 s3, s5;
	[dreg:$0x0] =	wrdreg $0x0  }
0xa8: {  	s5 =	sshll.u32 s28, $0x1;
	[dreg:$0x2] =	wrdreg s3  }
0xa9: {  	[dreg:$0x3] =	wrdreg s5  }
0xaa: {  	[dreg:$0x4] =	wrdreg $0xC0  }
0xab: {  	_ =	task [dreg:s7], $0x5FFFF  }
0xac: {  	[dreg:$0x1] =	wrdreg $0xFFFFFFFF  }
0xad: {  	[dreg:$0x0] =	wrdreg $0x60  }
0xae: {  	[dreg:$0x2] =	wrdreg s2  }
0xaf: {  	[dreg:$0x3] =	wrdreg s24  }
0xb0: {  	[dreg:$0x4] =	wrdreg $0x9  }
0xb1: {  	_ =	task.clear_ibuf [dreg:s7], $0x5FFFF;
	_ =	strace $0x90000046  }
0xb2: {  	s29 =	simm.s32 $0x9;
	_ =	strace $0x80000048  }
0xb3: {  	_ =	swait.ge [sflag:s29], $0x1  }
0xb4: {  	[sflag:s29] =	ssyncadd.s32 $0xFFFFFFFF  }
0xb5: {  	_ =	strace $0x90000048  }
0xb6: {  	_ =	sfence  }
0xb7: {  	s30 =	sld [smem:$0x0];
	_ =	sdelay $0x2  }
0xb8: {  	s31 =	sshll.u32 s1, $0xD;
	s1 =	sshrl.u32 s1, $0x2  }
0xb9: {  	s3 =	sand.u32 $0x4000, s31;
	s1 =	sadd.s32 s1, s30  }
0xba: {  	s0 =	sor.u32 s3, s0;
	s1 =	sshll.u32 s1, $0x11  }
0xbb: {  	s0 =	sor.u32 s1, s0  }
0xbc: {  	s0 =	sadd.s32 $0x8F2B, s0  }
0xbd: {  	[sflag:s0] =	ssyncadd.remote.s32 $0x1  }
0xbe: {  	_ =	sfence.sel $0xFFFF  }
0xbf: {  	[dreg:$0x0] =	wrdreg $0xFFFFFFFF;
	(pc) =	sbr.abs _section_cstart, $3  }
0xc0: {  	[dreg:$0x1] =	wrdreg $0xFFFFFFFF  }
0xc1: {  	_ =	task.clear_ibuf [dreg:s7], $0x2FFFF;
	_ =	strace $0x9FFFFFFF  }
0xc2: {  	(tm) =	ssettm $0x7FFFFFFF  }
0xc3: {  	_ =	shalt  }
tec
execute0_lowered:
.L_overlay_start_1:
0x0: {  	(tag) =	ssettag $0x1  }
0x1: {  	s2 =	rddreg [dreg:$0x0];
	s1 =	srdreg.scid  }
0x2: {  	s0 =	stileid.u32;
	s4 =	rddreg [dreg:$0x1];
	s3 =	simm.s32 $0x0  }
0x3: {  	s12 =	simm.s32 $0x5000;
	s13 =	simm.s32 $0x1;
	s14 =	simm.s32 $0x2  }
0x4: {  	s15 =	simm.s32 $0xC80;
	s8 =	sand.u32 $0x1, s1;
	s1 =	rddreg [dreg:$0x2]  }
0x5: {  	s16 =	simm.s32 $0x0;
	s5 =	sshll.u32 s0, $0x1;
	[smem:$0x7FF] =	sst s3  }
0x6: {  	s9 =	sadd.s32 $0x4600, s4;
	s11 =	sshll.u32 s0, $0xC;
	s5 =	sor.u32 s8, s5  }
0x7: {  	_ =	strace $0x80000047;
	s7 =	ssub.s32 $0x2, s8;
	s8 =	sshll.u32 s8, $0xB  }
0x8: {  	s6 =	sshll.u32 s5, $0x9;
	s31 =	sshrl.u32 s7, $0x1;
	s5 =	sshll.u32 s5, $0xB  }
0x9: {  	s6 =	sadd.s32 s6, s4;
	s7 =	ssub.s32 s7, s31;
	s10 =	sadd.s32 s9, s5  }
0xa: {  	s9 =	sadd.s32 s11, s9;
	s11 =	simm.s32 $0x80;
	s4 =	sadd.s32 $0x600, s6  }
0xb: {  	s5 =	smax.u32 s7, $0x1;
	s6 =	sadd.s32 $0x180000, s10;
	s7 =	sadd.s32 $0x190000, s10  }
0xc: {  	s8 =	sadd.s32 s8, s9;
	s9 =	simm.s32 $0x3;
	s10 =	simm.s32 $0x1000  }
.LBB2_1:
0xd: {  	[tilespmem:s3], [sflag:$0x3] =	stream.linear.gather [hbm4b:s4+s3], $0xD00, $0x38;
	[tilespmem:$0x9000] =	vst v63  }
0xe: {  	_ =	swait.ge [sflag:s9], $0xD00  }
0xf: {  	[sflag:s9] =	ssyncset.done $0x0  }
0x10: {  	[sflag:s9] =	ssyncadd.s32 $0xFFFFF300  }
0x11: {  	[tilespmem:s10], [sflag:$0x1] =	stream.indirect.gather [hbm4b:s2+s11], $0x80, s3, s11, $0xb8;
	[tilespmem:$0x9000] =	vst v63  }
0x12: {  	_ = 	snop  }
0x13: {  	[tilespmem:s12], [sflag:$0x2] =	stream.indirect.gather [hbm4b:s2+s11], $0x80, s11, s11, $0xb8;
	[tilespmem:$0x9000] =	vst v63  }
0x14: {  	_ =	swait.ge [sflag:s13], $0x4000  }
0x15: {  	[sflag:s13] =	ssyncset.done $0x0  }
0x16: {  	s17 =	sadd.s32 $0x0, s8;
	[sflag:s13] =	ssyncadd.s32 $0xFFFFC000  }
0x17: {  	[hbm4b:s17+s3] =	stream.linear.scatter [tilespmem:s10], [sflag:$0x3], $0x4000, $0x38;
	[tilespmem:$0x9000] =	vst v63  }
0x18: {  	_ =	swait.ge [sflag:s9], $0x4000  }
0x19: {  	[sflag:s9] =	ssyncset.done $0x0  }
0x1a: {  	s18 =	simm.s32 $0x100;
	[sflag:s9] =	ssyncadd.s32 $0xFFFFC000  }
0x1b: {  	[tilespmem:s10], [sflag:$0x1] =	stream.indirect.gather [hbm4b:s2+s11], $0x80, s18, s11, $0xb8;
	[tilespmem:$0x9000] =	vst v63  }
0x1c: {  	_ =	swait.ge [sflag:s14], $0x4000  }
0x1d: {  	[sflag:s14] =	ssyncset.done $0x0  }
0x1e: {  	s17 =	sadd.s32 $0x10000, s17;
	[sflag:s14] =	ssyncadd.s32 $0xFFFFC000  }
0x1f: {  	[hbm4b:s17+s3] =	stream.linear.scatter [tilespmem:s12], [sflag:$0x3], $0x4000, $0x38;
	[tilespmem:$0x9000] =	vst v63  }
0x20: {  	_ =	swait.ge [sflag:s9], $0x4000  }
0x21: {  	s18 =	simm.s32 $0x80;
	s17 =	simm.s32 $0x20000;
	[sflag:s9] =	ssyncset.done $0x0  }
.LBB2_2:
0x22: {  	p0 =	sne.s32 s17, $0x160000;
	[sflag:s9] =	ssyncadd.s32 $0xFFFFC000;
	s18 =	sadd.s32 $0x100, s18  }
0x23: {  	[tilespmem:s12], [sflag:$0x2] =	stream.indirect.gather [hbm4b:s2+s11], $0x80, s18, s11, $0xb8;
	[tilespmem:$0x9000] =	vst v63  }
0x24: {  	s19 =	smov.u32 s17;
	s17 =	sadd.s32 $0x20000, s17;
	_ =	swait.ge [sflag:s13], $0x4000  }
0x25: {  	[sflag:s13] =	ssyncset.done $0x0  }
0x26: {  	s19 =	sadd.s32 s19, s8;
	[sflag:s13] =	ssyncadd.s32 $0xFFFFC000  }
0x27: {  	[hbm4b:s19+s3] =	stream.linear.scatter [tilespmem:s10], [sflag:$0x3], $0x4000, $0x38;
	[tilespmem:$0x9000] =	vst v63  }
0x28: {  	_ =	swait.ge [sflag:s9], $0x4000  }
0x29: {  	[sflag:s9] =	ssyncset.done $0x0  }
0x2a: {  	s20 =	sadd.s32 $0x80, s18;
	[sflag:s9] =	ssyncadd.s32 $0xFFFFC000  }
0x2b: {  	[tilespmem:s10], [sflag:$0x1] =	stream.indirect.gather [hbm4b:s2+s11], $0x80, s20, s11, $0xb8;
	[tilespmem:$0x9000] =	vst v63  }
0x2c: {  	_ =	swait.ge [sflag:s14], $0x4000  }
.Ltmp0:
0x2d: {  	[sflag:s14] =	ssyncset.done $0x0;
	(pc) =	sbr.rel @p0 .LBB2_2-.Ltmp0, $4  }
0x2e: {  	s19 =	sadd.s32 $0x10000, s19;
	[sflag:s14] =	ssyncadd.s32 $0xFFFFC000  }
0x2f: {  	[hbm4b:s19+s3] =	stream.linear.scatter [tilespmem:s12], [sflag:$0x3], $0x4000, $0x38;
	[tilespmem:$0x9000] =	vst v63  }
0x30: {  	_ =	swait.ge [sflag:s9], $0x4000  }
0x31: {  	[sflag:s9] =	ssyncset.done $0x0  }
0x32: {  	[sflag:s9] =	ssyncadd.s32 $0xFFFFC000  }
0x33: {  	[tilespmem:s12], [sflag:$0x2] =	stream.indirect.gather [hbm4b:s2+s11], $0x80, s15, s11, $0xb8;
	[tilespmem:$0x9000] =	vst v63  }
0x34: {  	_ =	swait.ge [sflag:s13], $0x4000  }
0x35: {  	[sflag:s13] =	ssyncset.done $0x0  }
0x36: {  	[sflag:s13] =	ssyncadd.s32 $0xFFFFC000  }
0x37: {  	[hbm4b:s6+s3] =	stream.linear.scatter [tilespmem:s10], [sflag:$0x3], $0x4000, $0x38;
	[tilespmem:$0x9000] =	vst v63  }
0x38: {  	_ =	swait.ge [sflag:s9], $0x4000  }
0x39: {  	[sflag:s9] =	ssyncset.done $0x0  }
0x3a: {  	[sflag:s9] =	ssyncadd.s32 $0xFFFFC000  }
0x3b: {  	s16 =	sadd.s32 $0x1, s16;
	_ =	swait.ge [sflag:s14], $0x4000  }
0x3c: {  	p0 =	sne.s32 s16, s5;
	[sflag:s14] =	ssyncset.done $0x0  }
.Ltmp1:
0x3d: {  	[sflag:s14] =	ssyncadd.s32 $0xFFFFC000;
	(pc) =	sbr.rel @p0 .LBB2_1-.Ltmp1, $4  }
0x3e: {  	[hbm4b:s7+s3] =	stream.linear.scatter [tilespmem:s12], [sflag:$0x3], $0x4000, $0x38;
	[tilespmem:$0x9000] =	vst v63  }
0x3f: {  	_ =	swait.ge [sflag:s9], $0x4000  }
0x40: {  	[sflag:s9] =	ssyncset.done $0x0  }
0x41: {  	[sflag:s9] =	ssyncadd.s32 $0xFFFFC000  }
0x42: {  	_ =	sfence.sel $0x180000  }
0x43: {  	[bflag:$0x0] =	sbarrier.arrive $0xFFFF  }
0x44: {  	p0 =	sne.s32 s0, $0x0;
	_ =	strace $0x90000047  }
0x45: {  	s0 =	sadd.s32 @!p0 $0x100000, s1;
	[bflag:$0x2] =	sbarrier.arrive $0xFFFF  }
0x46: {  	[sflag:s0] =	ssyncadd.tile.s32 @!p0 $0x1;
	_ =	shalt  }
.Lfunc_end2:
_tile_overlayer_lowered:
.L_overlay_start_2:
0x47: {  	(tag) =	ssettag $0x2  }
0x48: {  	s0 =	rddreg [dreg:$0x0];
	s2 =	stileid.u32  }
0x49: {  	s1 =	rddreg [dreg:$0x1];
	p0 =	sne.s32 s2, $0x0  }
0x4a: {  	s3 =	rddreg [dreg:$0x2];
	[bflag:$0x3] =	sbarrier.arrive $0xFFFF;
	s2 =	simm.s32 @!p0 $0x1C03  }
0x4b: {  	[timem:s3], [sflag:s2] =	dma.local @!p0 [hbm:s0], s1  }
0x4c: {  	s0 =	simm.s32 @!p0 $0x3  }
0x4d: {  	_ =	swait.ge @!p0 [sflag:s0], s1  }
0x4e: {  	s1 =	ssub.s32 @!p0 $0x0, s1;
	[sflag:s0] =	ssyncset.done @!p0 $0x0  }
0x4f: {  	[sflag:s0] =	ssyncadd.s32 @!p0 s1  }
0x50: {  	[bflag:$0x3] =	sbarrier.arrive $0xFFFF  }
0x51: {  	_ =	shalt  }

</sc_bundles>
